<compile_context>
chip_gen: v7x
topology: tpu7x:2x2x1
jax: 0.10.2.dev20260603
libtpu: 0.0.44.dev20260713+nightly
codegen_flags: <defaults>
</compile_context>

<pallas_src>
import functools

import jax
import jax.numpy as jnp
from jax import lax
from jax.experimental import pallas as pl
from jax.experimental.pallas import tpu as pltpu
from jax.experimental.pallas import tpu_sc as plsc

EOS_COEF = 0.1
_SC_NC, _SC_NS, _SC_L = 2, 16, 16
_SC_NW = _SC_NC * _SC_NS


def _sc_bbox_partials(n):
    per_w = n // _SC_NW
    mesh = plsc.VectorSubcoreMesh(core_axis_name="c", subcore_axis_name="s")

    @functools.partial(
        pl.kernel, mesh=mesh,
        out_type=jax.ShapeDtypeStruct((_SC_NW * _SC_L,), jnp.float32),
        scratch_types=[
            pltpu.VMEM((per_w,), jnp.float32),
            pltpu.VMEM((per_w,), jnp.float32),
            pltpu.VMEM((_SC_L,), jnp.float32),
        ],
    )
    def k(pb_hbm, tb_hbm, out_hbm, pbv, tbv, acc):
        wid = lax.axis_index("s") * _SC_NC + lax.axis_index("c")
        base = wid * per_w
        pltpu.sync_copy(pb_hbm.at[pl.ds(base, per_w)], pbv)
        pltpu.sync_copy(tb_hbm.at[pl.ds(base, per_w)], tbv)
        acc[...] = jnp.zeros((_SC_L,), jnp.float32)

        def step(j, carry):
            a = pbv[pl.ds(j * _SC_L, _SC_L)]
            b = tbv[pl.ds(j * _SC_L, _SC_L)]
            acc[...] = acc[...] + jnp.abs(a - b)
            return carry

        lax.fori_loop(0, per_w // _SC_L, step, 0)
        pltpu.sync_copy(acc, out_hbm.at[pl.ds(wid * _SC_L, _SC_L)])

    return k


def _make_body(BB, Q, C1, S, B):
    NQ = B * Q
    NM = B * S
    M = BB * S

    def body(logits_ref, bbp_ref, tgt_ref, sizes_ref,
             ce_ref, err_ref, bbox_ref, acc_ref):
        i = pl.program_id(0)

        @pl.when(i == 0)
        def _init():
            acc_ref[0] = 0.0
            acc_ref[1] = 0.0
            acc_ref[2] = 0.0
            acc_ref[3] = 0.0

        lg = logits_ref[...]
        ebf = jnp.exp(lg.astype(jnp.bfloat16)).reshape(BB * Q, C1)
        r4 = jax.lax.broadcasted_iota(jnp.int32, (8, C1), 0) < 4
        i91 = jax.lax.broadcasted_iota(jnp.int32, (8, C1), 1) == C1 - 1
        wl = jnp.where(r4 | i91, 1.0, 0.0).astype(jnp.bfloat16)
        rs = jax.lax.dot_general(wl, ebf, (((1,), (1,)), ((), ())),
                                 preferred_element_type=jnp.float32)
        wnll = EOS_COEF * jnp.sum(jnp.log(rs[0:1, :] / rs[4:5, :]))

        lgm = lg[:, :S, :].reshape(M, C1)
        lsem = jnp.log(jnp.sum(jnp.exp(lgm), axis=-1, keepdims=True))
        lastm = lgm[:, C1 - 1:C1]
        tcls = tgt_ref[:, 4:5].astype(jnp.int32)
        ci = jax.lax.broadcasted_iota(jnp.int32, (M, C1), 1)
        logit_t = jnp.sum(jnp.where(ci == tcls, lgm, 0.0),
                          axis=-1, keepdims=True)
        w_t = jnp.where(tcls == C1 - 1, EOS_COEF, 1.0)
        wnll += jnp.sum(w_t * (lsem - logit_t)
                        - EOS_COEF * (lsem - lastm))
        wsum_corr = jnp.sum(w_t - EOS_COEF)

        maxv = jnp.max(lgm, axis=-1, keepdims=True)
        amax = jnp.min(jnp.where(lgm == maxv, ci, C1),
                       axis=-1, keepdims=True)
        correct = jnp.sum((amax == tcls).astype(jnp.float32))

        bbox = jnp.where(i == 0, jnp.sum(bbp_ref[...]), 0.0)

        acc_ref[0] += wnll
        acc_ref[1] += wsum_corr
        acc_ref[2] += correct
        acc_ref[3] += bbox

        @pl.when(i == pl.num_programs(0) - 1)
        def _fin():
            nbi = jax.lax.fori_loop(
                0, B, lambda k, a: a + sizes_ref[k], jnp.int32(0))
            nb = jnp.maximum(nbi.astype(jnp.float32), 1.0)
            wsum = acc_ref[1] + EOS_COEF * NQ
            ce_ref[0] = acc_ref[0] / wsum
            err_ref[0] = 100.0 - acc_ref[2] * (100.0 / NM)
            bbox_ref[0] = acc_ref[3] / nb

    return body


def kernel(class_logits, pred_boxes, targets, sizes):
    B, Q, C1 = class_logits.shape
    S = targets.shape[0] // B
    BB = 32 if B % 32 == 0 else 1
    grid = (B // BB,)

    pbm = pred_boxes[:, :S, :].reshape(B * S * 4)
    tbb = targets[:, 0:4].reshape(B * S * 4)
    bbp = _sc_bbox_partials(B * S * 4)(pbm, tbb).reshape(4, 128)

    ce, err, bbox = pl.pallas_call(
        _make_body(BB, Q, C1, S, B),
        grid=grid,
        in_specs=[
            pl.BlockSpec((BB, Q, C1), lambda i: (i, 0, 0)),
            pl.BlockSpec((4, 128), lambda i: (0, 0)),
            pl.BlockSpec((BB * S, 5), lambda i: (i, 0)),
            pl.BlockSpec(memory_space=pltpu.SMEM),
        ],
        out_specs=[
            pl.BlockSpec(memory_space=pltpu.SMEM),
            pl.BlockSpec(memory_space=pltpu.SMEM),
            pl.BlockSpec(memory_space=pltpu.SMEM),
        ],
        out_shape=[
            jax.ShapeDtypeStruct((1,), jnp.float32),
            jax.ShapeDtypeStruct((1,), jnp.float32),
            jax.ShapeDtypeStruct((1,), jnp.float32),
        ],
        scratch_shapes=[pltpu.SMEM((4,), jnp.float32)],
    )(class_logits, bbp, targets, sizes)
    return ce.reshape(()), err.reshape(()), bbox.reshape(())

# --- scband reference (transcript-rebuilt; emitter-appended) ---
"""Pipeline reference for scband-detr-loss-24369644438190 (READ-ONLY COPY).

The authoritative reference and input builder live on the scoring server;
editing this copy changes nothing except your own understanding.
"""

import jax, jax.numpy as jnp
import numpy as np

B = 64
Q = 300
NUM_CLASSES = 91
S = 20  # targets per image (fixed for deterministic matcher)
NT = B * S
EOS_COEF = 0.1


def setup_inputs(seed: int = 0) -> dict:
    key = jax.random.key(seed)
    k1, k2, k3, k4 = jax.random.split(key, 4)
    class_logits = jax.random.normal(k1, (B, Q, NUM_CLASSES + 1), dtype=jnp.float32)
    pred_boxes = jax.random.uniform(k2, (B, Q, 4), dtype=jnp.float32)
    tgt_boxes = jax.random.uniform(k3, (NT, 4), dtype=jnp.float32)
    tgt_cls = jax.random.randint(k4, (NT,), 0, NUM_CLASSES).astype(jnp.float32)
    targets = jnp.concatenate([tgt_boxes, tgt_cls[:, None]], axis=1)  # [NT, 5]
    sizes = jnp.full((B,), S, dtype=jnp.int32)
    return {"class_logits": class_logits, "pred_boxes": pred_boxes, "targets": targets, "sizes": sizes}


def _matcher(b, s):
    # Deterministic matcher (stand-in for Hungarian): for image i, query j <- global target i*s+j.
    # Produces the same index structure the torch module consumes:
    # src indices are per-image query ids, tgt indices are GLOBAL rows into the flat targets tensor
    # (matching how the original code indexes targets[i, :] with the tgt index tensor).
    batch_idx = jnp.repeat(jnp.arange(b), s)          # [b*s]
    src_idx = jnp.tile(jnp.arange(s), b)              # [b*s]
    tgt_idx = jnp.arange(b * s)                       # [b*s] global rows of targets
    return batch_idx, src_idx, tgt_idx


def reference(class_logits, pred_boxes, targets, sizes):
    num_classes = class_logits.shape[-1] - 1
    b, q = class_logits.shape[0], class_logits.shape[1]
    s = targets.shape[0] // b
    batch_idx, src_idx, tgt_idx = _matcher(b, s)

    num_boxes = jnp.maximum(jnp.sum(sizes).astype(jnp.float32), 1.0)
    empty_weight = jnp.ones((num_classes + 1,), dtype=jnp.float32).at[-1].set(EOS_COEF)

    # ---- loss_labels ----
    target_classes_o = targets[tgt_idx, 4].astype(jnp.int32)  # gather matched target classes
    target_classes = jnp.full((b, q), num_classes, dtype=jnp.int32)
    target_classes = target_classes.at[batch_idx, src_idx].set(target_classes_o)  # scatter-overwrite
    logp = jax.nn.log_softmax(class_logits, axis=-1)
    nll = -jnp.take_along_axis(logp, target_classes[..., None], axis=-1)[..., 0]  # [b, q]
    w = empty_weight[target_classes]  # [b, q] class weights (gather)
    loss_ce = jnp.sum(w * nll) / jnp.sum(w)  # weighted-mean, matches F.cross_entropy(weight=...)

    # class_error = 100 - top1 accuracy on matched queries (non-differentiable metric)
    src_logits_matched = class_logits[batch_idx, src_idx]  # [b*s, C+1]
    pred_top1 = jnp.argmax(src_logits_matched, axis=-1)
    acc = jnp.sum((pred_top1 == target_classes_o).astype(jnp.float32)) * 100.0 / target_classes_o.shape[0]
    class_error = 100.0 - acc

    # ---- loss_boxes ----
    src_boxes = pred_boxes[batch_idx, src_idx]  # gather [b*s, 4]
    tb = targets[tgt_idx]                       # gather [b*s, 5]
    target_boxes = jnp.concatenate([tb[:, 0:4], tb[:, 5:]], axis=1)  # drop class column -> [b*s, 4]
    loss_bbox = jnp.sum(jnp.abs(src_boxes - target_boxes)) / num_boxes  # L1, sum-reduced

    return loss_ce, class_error, loss_bbox

if __name__ == "__main__":
    import jax
    _d = setup_inputs()
    print(jax.jit(kernel)(*tuple(_d.values())))

</pallas_src>

<mosaic_0001>
#map = affine_map<(d0, d1) -> (0)>
module attributes {stable_mosaic.version = 14 : i64} {
  func.func @k(%arg0: i32, %arg1: i32, %arg2: memref<5120xf32, #tpu.memory_space<hbm>>, %arg3: memref<5120xf32, #tpu.memory_space<hbm>>, %arg4: memref<512xf32, #tpu.memory_space<hbm>>, %arg5: memref<160xf32, #tpu.memory_space<vmem>>, %arg6: memref<160xf32, #tpu.memory_space<vmem>>, %arg7: memref<16xf32, #tpu.memory_space<vmem>>) attributes {dimension_semantics = [#tpu.dimension_semantics<core_parallel>, #tpu.dimension_semantics<subcore_parallel>], iteration_bounds = array<i64: 2, 16>, scalar_prefetch = 0 : i64, scratch_operands = 3 : i64, tpu.core_type = #tpu.core_type<sc_vector_subcore>, window_params = [{transform_indices = #map}, {transform_indices = #map}, {transform_indices = #map}]} {
    %mul3A = arith.constant 2 : i32
    %mul3A_0 = arith.muli %arg1, %mul3A : i32
    %add3A = arith.addi %mul3A_0, %arg0 : i32
    %mul3A_1 = arith.constant 160 : i32
    %mul3A_2 = arith.muli %add3A, %mul3A_1 : i32
    "tpu.region"() ({
      %run_scoped3A = tpu.sem_alloc : memref<!tpu.dma_semaphore, #tpu.memory_space<semaphore_mem>>
      %dma_start3A = tpu.memref_slice %arg2[%mul3A_2] : memref<5120xf32, #tpu.memory_space<hbm>> -> memref<160xf32, #tpu.memory_space<hbm>>
      %dma_start3A_14 = tpu.memref_slice %arg2[%mul3A_2] : memref<5120xf32, #tpu.memory_space<hbm>> -> memref<160xf32, #tpu.memory_space<hbm>>
      tpu.enqueue_dma source(%dma_start3A_14 : memref<160xf32, #tpu.memory_space<hbm>>) target(%arg5 : memref<160xf32, #tpu.memory_space<vmem>>) target_semaphore(%run_scoped3A : memref<!tpu.dma_semaphore, #tpu.memory_space<semaphore_mem>>)
      %dma_wait3A = tpu.memref_slice %arg2[%mul3A_2] : memref<5120xf32, #tpu.memory_space<hbm>> -> memref<160xf32, #tpu.memory_space<hbm>>
      %dma_wait3A_15 = tpu.memref_slice %arg2[%mul3A_2] : memref<5120xf32, #tpu.memory_space<hbm>> -> memref<160xf32, #tpu.memory_space<hbm>>
      tpu.wait_dma2 semaphore(%run_scoped3A : memref<!tpu.dma_semaphore, #tpu.memory_space<semaphore_mem>>) src(%dma_wait3A_15 : memref<160xf32, #tpu.memory_space<hbm>>) dst(%arg5 : memref<160xf32, #tpu.memory_space<vmem>>)
      tpu.yield
    }) : () -> ()
    "tpu.region"() ({
      %run_scoped3A = tpu.sem_alloc : memref<!tpu.dma_semaphore, #tpu.memory_space<semaphore_mem>>
      %dma_start3A = tpu.memref_slice %arg3[%mul3A_2] : memref<5120xf32, #tpu.memory_space<hbm>> -> memref<160xf32, #tpu.memory_space<hbm>>
      %dma_start3A_14 = tpu.memref_slice %arg3[%mul3A_2] : memref<5120xf32, #tpu.memory_space<hbm>> -> memref<160xf32, #tpu.memory_space<hbm>>
      tpu.enqueue_dma source(%dma_start3A_14 : memref<160xf32, #tpu.memory_space<hbm>>) target(%arg6 : memref<160xf32, #tpu.memory_space<vmem>>) target_semaphore(%run_scoped3A : memref<!tpu.dma_semaphore, #tpu.memory_space<semaphore_mem>>)
      %dma_wait3A = tpu.memref_slice %arg3[%mul3A_2] : memref<5120xf32, #tpu.memory_space<hbm>> -> memref<160xf32, #tpu.memory_space<hbm>>
      %dma_wait3A_15 = tpu.memref_slice %arg3[%mul3A_2] : memref<5120xf32, #tpu.memory_space<hbm>> -> memref<160xf32, #tpu.memory_space<hbm>>
      tpu.wait_dma2 semaphore(%run_scoped3A : memref<!tpu.dma_semaphore, #tpu.memory_space<semaphore_mem>>) src(%dma_wait3A_15 : memref<160xf32, #tpu.memory_space<hbm>>) dst(%arg6 : memref<160xf32, #tpu.memory_space<vmem>>)
      tpu.yield
    }) : () -> ()
    %broadcast_in_dim3A = arith.constant 0.000000e+00 : f32
    %broadcast_in_dim3A_3 = vector.broadcast %broadcast_in_dim3A : f32 to vector<16xf32>
    %swap3A = arith.constant 0 : index
    %swap3A_4 = tpu.vector_load %arg7[%swap3A] {strides = array<i32>} : memref<16xf32, #tpu.memory_space<vmem>>, vector<16xf32>,
    %swap3A_5 = vector.shape_cast %swap3A_4 : vector<16xf32> to vector<16xf32>
    %swap3A_6 = vector.shape_cast %broadcast_in_dim3A_3 : vector<16xf32> to vector<16xf32>
    tpu.vector_store %arg7[%swap3A], %swap3A_6 {strides = array<i32>} : memref<16xf32, #tpu.memory_space<vmem>>, vector<16xf32>,
    %scan3A = arith.constant 0 : i32
    %scan3A_7 = arith.constant 0 : i32
    %scan3A_8 = arith.constant 10 : i32
    %scan3A_9 = arith.addi %scan3A_7, %scan3A_8 : i32
    %scan3A_10 = arith.constant 1 : i32
    scf.for %scan3A_14 = %scan3A_7 to %scan3A_9 step %scan3A_10  : i32 {
      %mul3A_15 = arith.constant 16 : i32
      %mul3A_16 = arith.muli %scan3A_14, %mul3A_15 : i32
      %get3A = arith.index_cast %mul3A_16 : i32 to index
      %get3A_17 = tpu.vector_load %arg5[%get3A] {strides = array<i32>} : memref<160xf32, #tpu.memory_space<vmem>>, vector<16xf32>,
      %get3A_18 = vector.shape_cast %get3A_17 : vector<16xf32> to vector<16xf32>
      %mul3A_19 = arith.constant 16 : i32
      %mul3A_20 = arith.muli %scan3A_14, %mul3A_19 : i32
      %get3A_21 = arith.index_cast %mul3A_20 : i32 to index
      %get3A_22 = tpu.vector_load %arg6[%get3A_21] {strides = array<i32>} : memref<160xf32, #tpu.memory_space<vmem>>, vector<16xf32>,
      %get3A_23 = vector.shape_cast %get3A_22 : vector<16xf32> to vector<16xf32>
      %get3A_24 = arith.constant 0 : index
      %get3A_25 = tpu.vector_load %arg7[%get3A_24] {strides = array<i32>} : memref<16xf32, #tpu.memory_space<vmem>>, vector<16xf32>,
      %get3A_26 = vector.shape_cast %get3A_25 : vector<16xf32> to vector<16xf32>
      %sub3A = arith.subf %get3A_18, %get3A_23 : vector<16xf32>
      %abs3A = math.absf %sub3A : vector<16xf32>
      %add3A_27 = arith.addf %get3A_26, %abs3A : vector<16xf32>
      %swap3A_28 = arith.constant 0 : index
      %swap3A_29 = tpu.vector_load %arg7[%swap3A_28] {strides = array<i32>} : memref<16xf32, #tpu.memory_space<vmem>>, vector<16xf32>,
      %swap3A_30 = vector.shape_cast %swap3A_29 : vector<16xf32> to vector<16xf32>
      %swap3A_31 = vector.shape_cast %add3A_27 : vector<16xf32> to vector<16xf32>
      tpu.vector_store %arg7[%swap3A_28], %swap3A_31 {strides = array<i32>} : memref<16xf32, #tpu.memory_space<vmem>>, vector<16xf32>,
    }
    %scan3A_11 = arith.constant 10 : i32
    %mul3A_12 = arith.constant 16 : i32
    %mul3A_13 = arith.muli %add3A, %mul3A_12 : i32
    "tpu.region"() ({
      %run_scoped3A = tpu.sem_alloc : memref<!tpu.dma_semaphore, #tpu.memory_space<semaphore_mem>>
      %dma_start3A = tpu.memref_slice %arg4[%mul3A_13] : memref<512xf32, #tpu.memory_space<hbm>> -> memref<16xf32, #tpu.memory_space<hbm>>
      %dma_start3A_14 = tpu.memref_slice %arg4[%mul3A_13] : memref<512xf32, #tpu.memory_space<hbm>> -> memref<16xf32, #tpu.memory_space<hbm>>
      tpu.enqueue_dma source(%arg7 : memref<16xf32, #tpu.memory_space<vmem>>) target(%dma_start3A_14 : memref<16xf32, #tpu.memory_space<hbm>>) target_semaphore(%run_scoped3A : memref<!tpu.dma_semaphore, #tpu.memory_space<semaphore_mem>>)
      %dma_wait3A = tpu.memref_slice %arg4[%mul3A_13] : memref<512xf32, #tpu.memory_space<hbm>> -> memref<16xf32, #tpu.memory_space<hbm>>
      %dma_wait3A_15 = tpu.memref_slice %arg4[%mul3A_13] : memref<512xf32, #tpu.memory_space<hbm>> -> memref<16xf32, #tpu.memory_space<hbm>>
      tpu.wait_dma2 semaphore(%run_scoped3A : memref<!tpu.dma_semaphore, #tpu.memory_space<semaphore_mem>>) src(%arg7 : memref<16xf32, #tpu.memory_space<vmem>>) dst(%dma_wait3A_15 : memref<16xf32, #tpu.memory_space<hbm>>)
      tpu.yield
    }) : () -> ()
    return
  }
}

module attributes {stable_mosaic.version = 14 : i64} {
  func.func @body(%arg0: i32, %arg1: memref<32x300x92xf32, #tpu.memory_space<vmem>>, %arg2: memref<4x128xf32, #tpu.memory_space<vmem>>, %arg3: memref<640x5xf32, #tpu.memory_space<vmem>>, %arg4: memref<64xi32, #tpu.memory_space<smem>>, %arg5: memref<1xf32, #tpu.memory_space<smem>>, %arg6: memref<1xf32, #tpu.memory_space<smem>>, %arg7: memref<1xf32, #tpu.memory_space<smem>>, %arg8: memref<4xf32, #tpu.memory_space<smem>>) attributes {dimension_semantics = [#tpu.dimension_semantics<arbitrary>], iteration_bounds = array<i64: 2>, scalar_prefetch = 0 : i64, scratch_operands = 1 : i64, tpu.core_type = #tpu.core_type<tc>, window_params = [{transform_indices = @transform_0, window_bounds = array<i64: 32, 300, 92>}, {pipeline_mode = #tpu.pipeline_mode<synchronous>, transform_indices = @transform_1, window_bounds = array<i64: 4, 128>}, {transform_indices = @transform_2, window_bounds = array<i64: 640, 5>}, {transform_indices = @transform_3, window_bounds = array<i64: 64>}, {transform_indices = @transform_4, window_bounds = array<i64: 1>}, {transform_indices = @transform_5, window_bounds = array<i64: 1>}, {transform_indices = @transform_6, window_bounds = array<i64: 1>}]} {
    %eq3A = arith.constant 0 : i32
    %eq3A_0 = arith.cmpi eq, %arg0, %eq3A : i32
    %convert_element_type3A = arith.extui %eq3A_0 : i1 to i32
    %cond3A = arith.constant 0 : i32
    %cond3A_1 = arith.cmpi ne, %convert_element_type3A, %cond3A : i32
    scf.if %cond3A_1 {
      %swap3A_123 = arith.constant 0.000000e+00 : f32
      %swap3A_124 = arith.constant 0 : index
      %swap3A_125 = memref.load %arg8[%swap3A_124] : memref<4xf32, #tpu.memory_space<smem>>
      memref.store %swap3A_123, %arg8[%swap3A_124] : memref<4xf32, #tpu.memory_space<smem>>
      %swap3A_126 = arith.constant 0.000000e+00 : f32
      %swap3A_127 = arith.constant 1 : index
      %swap3A_128 = memref.load %arg8[%swap3A_127] : memref<4xf32, #tpu.memory_space<smem>>
      memref.store %swap3A_126, %arg8[%swap3A_127] : memref<4xf32, #tpu.memory_space<smem>>
      %swap3A_129 = arith.constant 0.000000e+00 : f32
      %swap3A_130 = arith.constant 2 : index
      %swap3A_131 = memref.load %arg8[%swap3A_130] : memref<4xf32, #tpu.memory_space<smem>>
      memref.store %swap3A_129, %arg8[%swap3A_130] : memref<4xf32, #tpu.memory_space<smem>>
      %swap3A_132 = arith.constant 0.000000e+00 : f32
      %swap3A_133 = arith.constant 3 : index
      %swap3A_134 = memref.load %arg8[%swap3A_133] : memref<4xf32, #tpu.memory_space<smem>>
      memref.store %swap3A_132, %arg8[%swap3A_133] : memref<4xf32, #tpu.memory_space<smem>>
    } else {
    }
    %get3A = arith.constant 0 : index
    %get3A_2 = arith.constant 0 : index
    %get3A_3 = arith.constant 0 : index
    %get3A_4 = vector.load %arg1[%get3A, %get3A_2, %get3A_3] : memref<32x300x92xf32, #tpu.memory_space<vmem>>, vector<32x300x92xf32>
    %convert_element_type3A_5 = arith.truncf %get3A_4 : vector<32x300x92xf32> to vector<32x300x92xbf16>
    %exp3A = math.exp %convert_element_type3A_5 : vector<32x300x92xbf16>
    %reshape3A = vector.shape_cast %exp3A : vector<32x300x92xbf16> to vector<9600x92xbf16>
    %iota3A = tpu.iota {dimensions = array<i32: 0>} : vector<8x92xi32>
    %lt3A = arith.constant 4 : i32
    %lt3A_6 = vector.broadcast %lt3A : i32 to vector<8x92xi32>
    %lt3A_7 = arith.cmpi slt, %iota3A, %lt3A_6 : vector<8x92xi32>
    %iota3A_8 = tpu.iota {dimensions = array<i32: 1>} : vector<8x92xi32>
    %eq3A_9 = arith.constant 91 : i32
    %eq3A_10 = vector.broadcast %eq3A_9 : i32 to vector<8x92xi32>
    %eq3A_11 = arith.cmpi eq, %iota3A_8, %eq3A_10 : vector<8x92xi32>
    %or3A = arith.ori %lt3A_7, %eq3A_11 : vector<8x92xi1>
    %jit3A = arith.constant 1.000000e+00 : f32
    %jit3A_12 = arith.constant 0.000000e+00 : f32
    %broadcast_in_dim3A = vector.broadcast %jit3A : f32 to vector<8x92xf32>
    %broadcast_in_dim3A_13 = vector.broadcast %jit3A_12 : f32 to vector<8x92xf32>
    %select_n3A = arith.select %or3A, %broadcast_in_dim3A, %broadcast_in_dim3A_13 : vector<8x92xi1>, vector<8x92xf32>
    %convert_element_type3A_14 = arith.truncf %select_n3A : vector<8x92xf32> to vector<8x92xbf16>
    %dot_general3A = arith.constant dense<0.000000e+00> : vector<8x9600xf32>
    %dot_general3A_15 = tpu.matmul %convert_element_type3A_14, %reshape3A, %dot_general3A {dimension_numbers = #tpu.dot_dimension_numbers<[1], [1], [0], [0], [0, 0, 1, 0], [], []>, transpose_lhs_hint = false} : vector<8x92xbf16>, vector<9600x92xbf16>, vector<8x9600xf32> -> vector<8x9600xf32>
    %slice3A = vector.extract_strided_slice %dot_general3A_15 {offsets = [0, 0], sizes = [1, 9600], strides = [1, 1]} : vector<8x9600xf32> to vector<1x9600xf32>
    %slice3A_16 = vector.extract_strided_slice %dot_general3A_15 {offsets = [4, 0], sizes = [1, 9600], strides = [1, 1]} : vector<8x9600xf32> to vector<1x9600xf32>
    %div3A = arith.divf %slice3A, %slice3A_16 : vector<1x9600xf32>
    %log3A = math.log %div3A : vector<1x9600xf32>
    %reduce_sum3A = vector.shape_cast %log3A : vector<1x9600xf32> to vector<1x1x9600xf32>
    %reduce_sum3A_17 = arith.constant dense<0.000000e+00> : vector<1xf32>
    %reduce_sum3A_18 = vector.multi_reduction <add>, %reduce_sum3A, %reduce_sum3A_17 [1, 2] : vector<1x1x9600xf32> to vector<1xf32>
    %reduce_sum3A_19 = vector.shape_cast %reduce_sum3A_18 : vector<1xf32> to vector<1x1x1xf32>
    %reduce_sum3A_20 = vector.extract %reduce_sum3A_19[0, 0, 0] : f32 from vector<1x1x1xf32>
    %mul3A = arith.constant 1.000000e-01 : f32
    %mul3A_21 = arith.mulf %mul3A, %reduce_sum3A_20 : f32
    %slice3A_22 = vector.extract_strided_slice %get3A_4 {offsets = [0, 0, 0], sizes = [32, 20, 92], strides = [1, 1, 1]} : vector<32x300x92xf32> to vector<32x20x92xf32>
    %reshape3A_23 = vector.shape_cast %slice3A_22 : vector<32x20x92xf32> to vector<640x92xf32>
    %exp3A_24 = math.exp %reshape3A_23 : vector<640x92xf32>
    %reduce_sum3A_25 = arith.constant dense<0.000000e+00> : vector<640xf32>
    %reduce_sum3A_26 = vector.multi_reduction <add>, %exp3A_24, %reduce_sum3A_25 [1] : vector<640x92xf32> to vector<640xf32>
    %broadcast_in_dim3A_27 = vector.shape_cast %reduce_sum3A_26 : vector<640xf32> to vector<640x1xf32>
    %log3A_28 = math.log %broadcast_in_dim3A_27 : vector<640x1xf32>
    %slice3A_29 = vector.extract_strided_slice %reshape3A_23 {offsets = [0, 91], sizes = [640, 1], strides = [1, 1]} : vector<640x92xf32> to vector<640x1xf32>
    %get3A_30 = arith.constant 0 : index
    %get3A_31 = arith.constant 4 : index
    %get3A_32 = vector.load %arg3[%get3A_30, %get3A_31] : memref<640x5xf32, #tpu.memory_space<vmem>>, vector<640x1xf32>
    %convert_element_type3A_33 = arith.fptosi %get3A_32 : vector<640x1xf32> to vector<640x1xi32>
    %iota3A_34 = tpu.iota {dimensions = array<i32: 1>} : vector<640x92xi32>
    %eq3A_35 = vector.broadcast %convert_element_type3A_33 : vector<640x1xi32> to vector<640x92xi32>
    %eq3A_36 = arith.cmpi eq, %iota3A_34, %eq3A_35 : vector<640x92xi32>
    %jit3A_37 = arith.constant 0.000000e+00 : f32
    %broadcast_in_dim3A_38 = vector.broadcast %jit3A_37 : f32 to vector<640x92xf32>
    %select_n3A_39 = arith.select %eq3A_36, %reshape3A_23, %broadcast_in_dim3A_38 : vector<640x92xi1>, vector<640x92xf32>
    %reduce_sum3A_40 = arith.constant dense<0.000000e+00> : vector<640xf32>
    %reduce_sum3A_41 = vector.multi_reduction <add>, %select_n3A_39, %reduce_sum3A_40 [1] : vector<640x92xf32> to vector<640xf32>
    %broadcast_in_dim3A_42 = vector.shape_cast %reduce_sum3A_41 : vector<640xf32> to vector<640x1xf32>
    %eq3A_43 = arith.constant 91 : i32
    %eq3A_44 = vector.broadcast %eq3A_43 : i32 to vector<640x1xi32>
    %eq3A_45 = arith.cmpi eq, %convert_element_type3A_33, %eq3A_44 : vector<640x1xi32>
    %jit3A_46 = arith.constant 1.000000e-01 : f32
    %jit3A_47 = arith.constant 1.000000e+00 : f32
    %broadcast_in_dim3A_48 = vector.broadcast %jit3A_46 : f32 to vector<640x1xf32>
    %broadcast_in_dim3A_49 = vector.broadcast %jit3A_47 : f32 to vector<640x1xf32>
    %select_n3A_50 = arith.select %eq3A_45, %broadcast_in_dim3A_48, %broadcast_in_dim3A_49 : vector<640x1xi1>, vector<640x1xf32>
    %sub3A = arith.subf %log3A_28, %broadcast_in_dim3A_42 : vector<640x1xf32>
    %mul3A_51 = arith.mulf %select_n3A_50, %sub3A : vector<640x1xf32>
    %sub3A_52 = arith.subf %log3A_28, %slice3A_29 : vector<640x1xf32>
    %mul3A_53 = arith.constant 1.000000e-01 : f32
    %mul3A_54 = vector.broadcast %mul3A_53 : f32 to vector<640x1xf32>
    %mul3A_55 = arith.mulf %mul3A_54, %sub3A_52 : vector<640x1xf32>
    %sub3A_56 = arith.subf %mul3A_51, %mul3A_55 : vector<640x1xf32>
    %reduce_sum3A_57 = vector.shape_cast %sub3A_56 : vector<640x1xf32> to vector<1x640x1xf32>
    %reduce_sum3A_58 = arith.constant dense<0.000000e+00> : vector<1xf32>
    %reduce_sum3A_59 = vector.multi_reduction <add>, %reduce_sum3A_57, %reduce_sum3A_58 [1, 2] : vector<1x640x1xf32> to vector<1xf32>
    %reduce_sum3A_60 = vector.shape_cast %reduce_sum3A_59 : vector<1xf32> to vector<1x1x1xf32>
    %reduce_sum3A_61 = vector.extract %reduce_sum3A_60[0, 0, 0] : f32 from vector<1x1x1xf32>
    %add3A = arith.addf %mul3A_21, %reduce_sum3A_61 : f32
    %sub3A_62 = arith.constant 1.000000e-01 : f32
    %sub3A_63 = vector.broadcast %sub3A_62 : f32 to vector<640x1xf32>
    %sub3A_64 = arith.subf %select_n3A_50, %sub3A_63 : vector<640x1xf32>
    %reduce_sum3A_65 = vector.shape_cast %sub3A_64 : vector<640x1xf32> to vector<1x640x1xf32>
    %reduce_sum3A_66 = arith.constant dense<0.000000e+00> : vector<1xf32>
    %reduce_sum3A_67 = vector.multi_reduction <add>, %reduce_sum3A_65, %reduce_sum3A_66 [1, 2] : vector<1x640x1xf32> to vector<1xf32>
    %reduce_sum3A_68 = vector.shape_cast %reduce_sum3A_67 : vector<1xf32> to vector<1x1x1xf32>
    %reduce_sum3A_69 = vector.extract %reduce_sum3A_68[0, 0, 0] : f32 from vector<1x1x1xf32>
    %reduce_max3A = arith.constant dense<0xFF800000> : vector<640xf32>
    %reduce_max3A_70 = vector.multi_reduction <maximumf>, %reshape3A_23, %reduce_max3A [1] : vector<640x92xf32> to vector<640xf32>
    %broadcast_in_dim3A_71 = vector.shape_cast %reduce_max3A_70 : vector<640xf32> to vector<640x1xf32>
    %eq3A_72 = vector.broadcast %broadcast_in_dim3A_71 : vector<640x1xf32> to vector<640x92xf32>
    %eq3A_73 = arith.cmpf oeq, %reshape3A_23, %eq3A_72 : vector<640x92xf32>
    %jit3A_74 = arith.constant 92 : i32
    %broadcast_in_dim3A_75 = vector.broadcast %jit3A_74 : i32 to vector<640x92xi32>
    %select_n3A_76 = arith.select %eq3A_73, %iota3A_34, %broadcast_in_dim3A_75 : vector<640x92xi1>, vector<640x92xi32>
    %reduce_min3A = arith.constant dense<2147483647> : vector<640xi32>
    %reduce_min3A_77 = vector.multi_reduction <minsi>, %select_n3A_76, %reduce_min3A [1] : vector<640x92xi32> to vector<640xi32>
    %broadcast_in_dim3A_78 = vector.shape_cast %reduce_min3A_77 : vector<640xi32> to vector<640x1xi32>
    %eq3A_79 = arith.cmpi eq, %broadcast_in_dim3A_78, %convert_element_type3A_33 : vector<640x1xi32>
    %convert_element_type3A_80 = arith.extui %eq3A_79 : vector<640x1xi1> to vector<640x1xi32>
    %convert_element_type3A_81 = arith.sitofp %convert_element_type3A_80 : vector<640x1xi32> to vector<640x1xf32>
    %reduce_sum3A_82 = vector.shape_cast %convert_element_type3A_81 : vector<640x1xf32> to vector<1x640x1xf32>
    %reduce_sum3A_83 = arith.constant dense<0.000000e+00> : vector<1xf32>
    %reduce_sum3A_84 = vector.multi_reduction <add>, %reduce_sum3A_82, %reduce_sum3A_83 [1, 2] : vector<1x640x1xf32> to vector<1xf32>
    %reduce_sum3A_85 = vector.shape_cast %reduce_sum3A_84 : vector<1xf32> to vector<1x1x1xf32>
    %reduce_sum3A_86 = vector.extract %reduce_sum3A_85[0, 0, 0] : f32 from vector<1x1x1xf32>
    %eq3A_87 = arith.constant 0 : i32
    %eq3A_88 = arith.cmpi eq, %arg0, %eq3A_87 : i32
    %get3A_89 = arith.constant 0 : index
    %get3A_90 = arith.constant 0 : index
    %get3A_91 = vector.load %arg2[%get3A_89, %get3A_90] : memref<4x128xf32, #tpu.memory_space<vmem>>, vector<4x128xf32>
    %reduce_sum3A_92 = vector.shape_cast %get3A_91 : vector<4x128xf32> to vector<1x4x128xf32>
    %reduce_sum3A_93 = arith.constant dense<0.000000e+00> : vector<1xf32>
    %reduce_sum3A_94 = vector.multi_reduction <add>, %reduce_sum3A_92, %reduce_sum3A_93 [1, 2] : vector<1x4x128xf32> to vector<1xf32>
    %reduce_sum3A_95 = vector.shape_cast %reduce_sum3A_94 : vector<1xf32> to vector<1x1x1xf32>
    %reduce_sum3A_96 = vector.extract %reduce_sum3A_95[0, 0, 0] : f32 from vector<1x1x1xf32>
    %jit3A_97 = arith.constant 0.000000e+00 : f32
    %select_n3A_98 = arith.select %eq3A_88, %reduce_sum3A_96, %jit3A_97 : f32
    %get3A_99 = arith.constant 0 : index
    %get3A_100 = memref.load %arg8[%get3A_99] : memref<4xf32, #tpu.memory_space<smem>>
    %add3A_101 = arith.addf %get3A_100, %add3A : f32
    %swap3A = arith.constant 0 : index
    %swap3A_102 = memref.load %arg8[%swap3A] : memref<4xf32, #tpu.memory_space<smem>>
    memref.store %add3A_101, %arg8[%swap3A] : memref<4xf32, #tpu.memory_space<smem>>
    %get3A_103 = arith.constant 1 : index
    %get3A_104 = memref.load %arg8[%get3A_103] : memref<4xf32, #tpu.memory_space<smem>>
    %add3A_105 = arith.addf %get3A_104, %reduce_sum3A_69 : f32
    %swap3A_106 = arith.constant 1 : index
    %swap3A_107 = memref.load %arg8[%swap3A_106] : memref<4xf32, #tpu.memory_space<smem>>
    memref.store %add3A_105, %arg8[%swap3A_106] : memref<4xf32, #tpu.memory_space<smem>>
    %get3A_108 = arith.constant 2 : index
    %get3A_109 = memref.load %arg8[%get3A_108] : memref<4xf32, #tpu.memory_space<smem>>
    %add3A_110 = arith.addf %get3A_109, %reduce_sum3A_86 : f32
    %swap3A_111 = arith.constant 2 : index
    %swap3A_112 = memref.load %arg8[%swap3A_111] : memref<4xf32, #tpu.memory_space<smem>>
    memref.store %add3A_110, %arg8[%swap3A_111] : memref<4xf32, #tpu.memory_space<smem>>
    %get3A_113 = arith.constant 3 : index
    %get3A_114 = memref.load %arg8[%get3A_113] : memref<4xf32, #tpu.memory_space<smem>>
    %add3A_115 = arith.addf %get3A_114, %select_n3A_98 : f32
    %swap3A_116 = arith.constant 3 : index
    %swap3A_117 = memref.load %arg8[%swap3A_116] : memref<4xf32, #tpu.memory_space<smem>>
    memref.store %add3A_115, %arg8[%swap3A_116] : memref<4xf32, #tpu.memory_space<smem>>
    %eq3A_118 = arith.constant 1 : i32
    %eq3A_119 = arith.cmpi eq, %arg0, %eq3A_118 : i32
    %convert_element_type3A_120 = arith.extui %eq3A_119 : i1 to i32
    %cond3A_121 = arith.constant 0 : i32
    %cond3A_122 = arith.cmpi ne, %convert_element_type3A_120, %cond3A_121 : i32
    scf.if %cond3A_122 {
      %scan3A = arith.constant 0 : i32
      %scan3A_123 = arith.constant 0 : i32
      %scan3A_124 = arith.constant 64 : i32
      %scan3A_125 = arith.addi %scan3A_123, %scan3A_124 : i32
      %scan3A_126 = arith.constant 1 : i32
      %scan3A_127 = scf.for %scan3A_153 = %scan3A_123 to %scan3A_125 step %scan3A_126 iter_args(%scan3A_154 = %scan3A) -> (i32)  : i32 {
        %get3A_155 = arith.index_cast %scan3A_153 : i32 to index
        %get3A_156 = memref.load %arg4[%get3A_155] : memref<64xi32, #tpu.memory_space<smem>>
        %add3A_157 = arith.addi %scan3A_154, %get3A_156 : i32
        scf.yield %add3A_157 : i32
      }
      %scan3A_128 = arith.constant 64 : i32
      %convert_element_type3A_129 = arith.sitofp %scan3A_127 : i32 to f32
      %max3A = arith.constant 1.000000e+00 : f32
      %max3A_130 = arith.maximumf %convert_element_type3A_129, %max3A : f32
      %get3A_131 = arith.constant 1 : index
      %get3A_132 = memref.load %arg8[%get3A_131] : memref<4xf32, #tpu.memory_space<smem>>
      %add3A_133 = arith.constant 1.920000e+03 : f32
      %add3A_134 = arith.addf %get3A_132, %add3A_133 : f32
      %get3A_135 = arith.constant 0 : index
      %get3A_136 = memref.load %arg8[%get3A_135] : memref<4xf32, #tpu.memory_space<smem>>
      %div3A_137 = arith.divf %get3A_136, %add3A_134 : f32
      %swap3A_138 = arith.constant 0 : index
      %swap3A_139 = memref.load %arg5[%swap3A_138] : memref<1xf32, #tpu.memory_space<smem>>
      memref.store %div3A_137, %arg5[%swap3A_138] : memref<1xf32, #tpu.memory_space<smem>>
      %get3A_140 = arith.constant 2 : index
      %get3A_141 = memref.load %arg8[%get3A_140] : memref<4xf32, #tpu.memory_space<smem>>
      %mul3A_142 = arith.constant 7.812500e-02 : f32
      %mul3A_143 = arith.mulf %get3A_141, %mul3A_142 : f32
      %sub3A_144 = arith.constant 1.000000e+02 : f32
      %sub3A_145 = arith.subf %sub3A_144, %mul3A_143 : f32
      %swap3A_146 = arith.constant 0 : index
      %swap3A_147 = memref.load %arg6[%swap3A_146] : memref<1xf32, #tpu.memory_space<smem>>
      memref.store %sub3A_145, %arg6[%swap3A_146] : memref<1xf32, #tpu.memory_space<smem>>
      %get3A_148 = arith.constant 3 : index
      %get3A_149 = memref.load %arg8[%get3A_148] : memref<4xf32, #tpu.memory_space<smem>>
      %div3A_150 = arith.divf %get3A_149, %max3A_130 : f32
      %swap3A_151 = arith.constant 0 : index
      %swap3A_152 = memref.load %arg7[%swap3A_151] : memref<1xf32, #tpu.memory_space<smem>>
      memref.store %div3A_150, %arg7[%swap3A_151] : memref<1xf32, #tpu.memory_space<smem>>
    } else {
    }
    return
  }
  func.func @transform_0(%arg0: i32) -> (i32, i32, i32) {
    %c0_i32 = arith.constant 0 : i32
    %c0_i32_0 = arith.constant 0 : i32
    %c0_i32_1 = arith.constant 0 : i32
    return %arg0, %c0_i32, %c0_i32_0 : i32, i32, i32
  }
  func.func @transform_1(%arg0: i32) -> (i32, i32) {
    %c0_i32 = arith.constant 0 : i32
    %c0_i32_0 = arith.constant 0 : i32
    %c0_i32_1 = arith.constant 0 : i32
    return %c0_i32, %c0_i32_0 : i32, i32
  }
  func.func @transform_2(%arg0: i32) -> (i32, i32) {
    %c0_i32 = arith.constant 0 : i32
    %c0_i32_0 = arith.constant 0 : i32
    return %arg0, %c0_i32 : i32, i32
  }
  func.func @transform_3(%arg0: i32) -> i32 {
    %c0_i32 = arith.constant 0 : i32
    %c0_i32_0 = arith.constant 0 : i32
    return %c0_i32 : i32
  }
  func.func @transform_4(%arg0: i32) -> i32 {
    %c0_i32 = arith.constant 0 : i32
    %c0_i32_0 = arith.constant 0 : i32
    return %c0_i32 : i32
  }
  func.func @transform_5(%arg0: i32) -> i32 {
    %c0_i32 = arith.constant 0 : i32
    %c0_i32_0 = arith.constant 0 : i32
    return %c0_i32 : i32
  }
  func.func @transform_6(%arg0: i32) -> i32 {
    %c0_i32 = arith.constant 0 : i32
    %c0_i32_0 = arith.constant 0 : i32
    return %c0_i32 : i32
  }
}

</mosaic_0001>

<sc_bundles>
// kernel: kernel.4.cloned.1.call-start
scs
__scs_entry_jumppad:
0x0: {  	(pc) =	sbr.rel $0x88, $3  }
0x1: {  	(tag) =	ssettag $0x0;
	lr =	simm.s32 $0x1  }
0x2: {  	[smem:$0x3F9D] =	sst lr;
	_ =	strace $0xD0000000  }
0x3: {  	_ = 	snop  }
0x4: {  	_ = 	snop  }
0x5: {  	_ = 	snop  }
0x6: {  	_ = 	snop  }
0x7: {  	_ = 	snop  }
__scs_overlays_trampoline_lowered:
0x8: {  	[smem:$0x3FAC] =	sst s0  }
0x9: {  	[smem:$0x3FAD] =	sst s1  }
0xa: {  	[smem:$0x3FAE] =	sst s2  }
0xb: {  	[smem:$0x3FAF] =	sst s3  }
0xc: {  	[smem:$0x3FB0] =	sst s4  }
0xd: {  	[smem:$0x3FB1] =	sst s5  }
0xe: {  	[smem:$0x3FB2] =	sst s6  }
0xf: {  	[smem:$0x3FB3] =	sst s7  }
0x10: {  	[smem:$0x3FB4] =	sst s8  }
0x11: {  	[smem:$0x3FB5] =	sst s9;
	s0 =	simm.s32 @!p0 $0x0  }
0x12: {  	s1 =	sld [smem:$0x3F9B];
	s0 =	simm.s32 @p0 $0x1  }
0x13: {  	[smem:$0x3FB6] =	sst s0;
	s0 =	simm.s32 @!p1 $0x0  }
0x14: {  	s2 =	sld [smem:$0x3F9A];
	s0 =	simm.s32 @p1 $0x1  }
0x15: {  	[smem:$0x3FB7] =	sst s0;
	s0 =	simm.s32 @!p2 $0x0  }
0x16: {  	s3 =	sld [smem:$0x3FDB];
	s0 =	simm.s32 @p2 $0x1  }
0x17: {  	s4 =	simm.s32 $0x1BF5;
	[smem:$0x3FB9] =	sst s0  }
0x18: {  	s0 =	sld [smem:$0x3F9C];
	_ =	swait.ge [sflag:s4], $0x0  }
0x19: {  	s7 =	sld [smem:$0x3F9D]  }
0x1a: {  	s8 =	sadd.s32 $0xFFFFE003, lr  }
0x1b: {  	s9 =	sadd.s32 $0xFFFFFEF7, lr;
	s5 =	simm.s32 $0xFFFFFFFF;
	p2 =	slt.u32 s8, $0xFFFFF086  }
0x1c: {  	p1 =	slt.u32 s9, $0xF7A;
	s5 =	simm.s32 @!p2 $0x0  }
0x1d: {  	s5 =	simm.s32 @p1 $0x1;
	p0 =	seq.s32 s7, s2  }
0x1e: {  	s7 =	smul.u32 @!p0 $0xF7A, s2;
	p2 =	seq.s32 @!p0 s5, $0x0  }
0x1f: {  	s9 =	smul.u32 $0xF7A, s1;
	s8 =	simm.s32 @!p0 $0x1BF5;
	p2 =	por !p2, p0  }
0x20: {  	[sflag:s8] =	ssyncset.s32 @!p0 $0xFFFFF086;
	s6 =	sadd.s32 @!p0 s3, s7;
	s7 =	simm.s32 @!p0 $0x108  }
0x21: {  	s3 =	sadd.s32 s3, s9;
	s6 =	sadd.s32 @!p0 $0x88, s6;
	s7 =	simm.s32 @p2 $0x1082  }
0x22: {  	[simem:s7], [sflag:s8] =	dma.local @!p0 [hbm:s6], $0xF7A  }
0x23: {  	s9 =	sor.u32 $0xD0000000, s2;
	s6 =	simm.s32 $0x108;
	_ =	swait.ge @!p0 [sflag:s8], $0x0  }
0x24: {  	s3 =	sadd.s32 $0x88, s3;
	s6 =	simm.s32 @!p1 $0x1082;
	[sflag:s4] =	ssyncset.s32 $0xFFFFF086  }
0x25: {  	[simem:s6], [sflag:s4] =	dma.local [hbm:s3], $0xF7A  }
0x26: {  	[smem:$0x3F9D] =	sst s1;
	(tag) =	ssettag s2;
	_ =	strace s9  }
0x27: {  	s1 =	sld [smem:$0x3FAD]  }
0x28: {  	s2 =	sld [smem:$0x3FAE]  }
0x29: {  	s4 =	sld [smem:$0x3FB0]  }
0x2a: {  	p0 =	seq.s32 s5, $0x0;
	s5 =	sld [smem:$0x3FB1]  }
0x2b: {  	s6 =	sld [smem:$0x3FB2]  }
0x2c: {  	s7 =	sld [smem:$0x3FB3]  }
0x2d: {  	s3 =	simm.s32 $0x108;
	s8 =	sld [smem:$0x3FB4]  }
0x2e: {  	s3 =	simm.s32 @!p0 $0x1082;
	s9 =	sld [smem:$0x3FB5]  }
0x2f: {  	lr =	sadd.s32 s0, s3;
	s0 =	sld [smem:$0x3FAC]  }
0x30: {  	s3 =	sld [smem:$0x3FAF]  }
0x31: {  	[smem:$0x3FB8] =	sst s10  }
0x32: {  	s10 =	sld [smem:$0x3FB6];
	_ =	sdelay $0x3  }
0x33: {  	p0 =	seq.s32 s10, $0x1;
	s10 =	sld [smem:$0x3FB8];
	_ =	sdelay $0x3  }
0x34: {  	[smem:$0x3FB8] =	sst s10  }
0x35: {  	s10 =	sld [smem:$0x3FB7];
	_ =	sdelay $0x3  }
0x36: {  	p1 =	seq.s32 s10, $0x1;
	s10 =	sld [smem:$0x3FB8];
	_ =	sdelay $0x3  }
0x37: {  	[smem:$0x3FB8] =	sst s10  }
0x38: {  	s10 =	sld [smem:$0x3FB9]  }
0x39: {  	_ = 	snop;
	(pc) =	sbr.ind lr, $3  }
0x3a: {  	_ = 	snop  }
0x3b: {  	_ = 	snop  }
0x3c: {  	p2 =	seq.s32 s10, $0x1;
	s10 =	sld [smem:$0x3FB8]  }
0x3d: {  	_ =	shalt  }
0x3e: {  	_ =	shalt  }
0x3f: {  	_ =	shalt  }
0x40: {  	_ =	shalt  }
0x41: {  	_ =	shalt  }
0x42: {  	_ =	shalt  }
0x43: {  	_ =	shalt  }
0x44: {  	_ =	shalt  }
0x45: {  	_ =	shalt  }
0x46: {  	_ =	shalt  }
0x47: {  	_ =	shalt  }
0x48: {  	_ =	shalt  }
0x49: {  	_ =	shalt  }
0x4a: {  	_ =	shalt  }
0x4b: {  	_ =	shalt  }
0x4c: {  	_ =	shalt  }
0x4d: {  	_ =	shalt  }
0x4e: {  	_ =	shalt  }
0x4f: {  	_ =	shalt  }
0x50: {  	_ =	shalt  }
0x51: {  	_ =	shalt  }
0x52: {  	_ =	shalt  }
0x53: {  	_ =	shalt  }
0x54: {  	_ =	shalt  }
0x55: {  	_ =	shalt  }
0x56: {  	_ =	shalt  }
0x57: {  	_ =	shalt  }
0x58: {  	_ =	shalt  }
0x59: {  	_ =	shalt  }
0x5a: {  	_ =	shalt  }
0x5b: {  	_ =	shalt  }
0x5c: {  	_ =	shalt  }
0x5d: {  	_ =	shalt  }
0x5e: {  	_ =	shalt  }
0x5f: {  	_ =	shalt  }
0x60: {  	_ =	shalt  }
0x61: {  	_ =	shalt  }
0x62: {  	_ =	shalt  }
0x63: {  	_ =	shalt  }
0x64: {  	_ =	shalt  }
0x65: {  	_ =	shalt  }
0x66: {  	_ =	shalt  }
0x67: {  	_ =	shalt  }
0x68: {  	_ =	shalt  }
0x69: {  	_ =	shalt  }
0x6a: {  	_ =	shalt  }
0x6b: {  	_ =	shalt  }
0x6c: {  	_ =	shalt  }
0x6d: {  	_ =	shalt  }
0x6e: {  	_ =	shalt  }
0x6f: {  	_ =	shalt  }
0x70: {  	_ =	shalt  }
0x71: {  	_ =	shalt  }
0x72: {  	_ =	shalt  }
0x73: {  	_ =	shalt  }
0x74: {  	_ =	shalt  }
0x75: {  	_ =	shalt  }
0x76: {  	_ =	shalt  }
0x77: {  	_ =	shalt  }
0x78: {  	_ =	shalt  }
0x79: {  	_ =	shalt  }
0x7a: {  	_ =	shalt  }
0x7b: {  	_ =	shalt  }
0x7c: {  	_ =	shalt  }
0x7d: {  	_ =	shalt  }
0x7e: {  	_ =	shalt  }
0x7f: {  	_ =	shalt  }
0x80: {  	_ =	shalt  }
0x81: {  	_ =	shalt  }
0x82: {  	_ =	shalt  }
0x83: {  	_ =	shalt  }
0x84: {  	_ =	shalt  }
0x85: {  	_ =	shalt  }
0x86: {  	_ =	shalt  }
0x87: {  	_ =	shalt  }
.Lfunc_end0:
.L_simem_size_0:
called_computation_lowered:
.L_overlay_start_0:
0x88: {  	s2 =	sld [smem:$0x3FD9]  }
0x89: {  	s3 =	sld [smem:$0x3FFE];
	_ =	sdelay $0x1  }
0x8a: {  	s1 =	srdreg.scid  }
0x8b: {  	s0 =	sand.u32 $0x1, s1  }
0x8c: {  	s16 =	sshll.u32 s0, $0xA;
	s2 =	sadd.s32 s3, s2  }
0x8d: {  	s2 =	sadd.s32 s2, s16  }
0x8e: {  	[smem:$0x3FC4] =	sst s2  }
0x8f: {  	_ = 	snop  }
0x90: {  	(tm) =	ssettm $0x1  }
0x91: {  	s17 =	sld [smem:$0x3FFB];
	_ =	sdelay $0x3  }
0x92: {  	_ =	strace s17  }
0x93: {  	s2 =	sld [smem:$0x3FFC];
	_ =	sdelay $0x3  }
0x94: {  	_ =	strace s2  }
0x95: {  	s2 =	sld [smem:$0x3FFD];
	_ =	sdelay $0x3  }
0x96: {  	_ =	strace s2  }
0x97: {  	_ =	strace $0x8FFFFFFF  }
0x98: {  	s18 =	sld [smem:$0x3FDB];
	_ =	sdelay $0x1  }
0x99: {  	s19 =	simm.s32 $_scs_section_size  }
0x9a: {  	s4 =	simm.s32 $_size__tile_overlayer_lowered;
	s5 =	simm.s32 $_tile_overlayer_lowered  }
0x9b: {  	s22 =	simm.s32 $0x1BFF;
	s21 =	sshll.u32 s5, $0x1;
	s2 =	sadd.s32 s19, s18  }
0x9c: {  	s6 =	simm.s32 $0x0;
	s20 =	sshll.u32 s4, $0x1;
	s4 =	sadd.s32 s21, s2  }
0x9d: {  	[timem:s6], [sflag:s22] =	dma.local [hbm:s4], s20  }
0x9e: {  	_ =	swait.ge [sflag:s22], s20  }
0x9f: {  	s3 =	ssub.s32 $0x0, s20;
	[sflag:s22] =	ssyncset.done $0x0  }
0xa0: {  	[sflag:s22] =	ssyncadd.s32 s3;
	_ =	sdelay $0x1  }
0xa1: {  	s23 =	simm.s32 $0x1B8B  }
0xa2: {  	_ =	swait.ge [sflag:s23], $0x1  }
0xa3: {  	[sflag:s23] =	ssyncset.done $0x0  }
0xa4: {  	s25 =	simm.s32 $0x1B8E;
	s24 =	sld [smem:$0x3FFE];
	[sflag:s23] =	ssyncadd.s32 $0xFFFFFFFF  }
0xa5: {  	s26 =	simm.s32 $execute0_lowered;
	[smem:$0x3FD2] =	sst s25  }
0xa6: {  	s4 =	sshll.u32 s26, $0x1;
	_ =	strace $0x80000046;
	[dreg:$0x1] =	wrdreg $0xFFFFFFFF  }
0xa7: {  	s28 =	simm.s32 $_size_execute0_lowered;
	s2 =	sadd.s32 s2, s4;
	[dreg:$0x0] =	wrdreg $0x0  }
0xa8: {  	s4 =	sshll.u32 s28, $0x1;
	[dreg:$0x2] =	wrdreg s2  }
0xa9: {  	[dreg:$0x3] =	wrdreg s4  }
0xaa: {  	[dreg:$0x4] =	wrdreg $0xC0  }
0xab: {  	_ =	task [dreg:s6], $0x5FFFF  }
0xac: {  	[dreg:$0x1] =	wrdreg $0xFFFFFFFF  }
0xad: {  	[dreg:$0x0] =	wrdreg $0x60  }
0xae: {  	[dreg:$0x2] =	wrdreg s24  }
0xaf: {  	[dreg:$0x3] =	wrdreg $0x9  }
0xb0: {  	_ =	task.clear_ibuf [dreg:s6], $0x4FFFF;
	_ =	strace $0x90000046  }
0xb1: {  	s29 =	simm.s32 $0x9;
	_ =	strace $0x80000048  }
0xb2: {  	_ =	swait.ge [sflag:s29], $0x1  }
0xb3: {  	[sflag:s29] =	ssyncadd.s32 $0xFFFFFFFF  }
0xb4: {  	_ =	strace $0x90000048  }
0xb5: {  	_ =	sfence  }
0xb6: {  	s30 =	sld [smem:$0x0];
	_ =	sdelay $0x2  }
0xb7: {  	s31 =	sshll.u32 s1, $0xD;
	s1 =	sshrl.u32 s1, $0x2  }
0xb8: {  	s3 =	sand.u32 $0x4000, s31;
	s1 =	sadd.s32 s1, s30  }
0xb9: {  	s0 =	sor.u32 s3, s0;
	s1 =	sshll.u32 s1, $0x11  }
0xba: {  	s0 =	sor.u32 s1, s0  }
0xbb: {  	s0 =	sadd.s32 $0x8F2B, s0  }
0xbc: {  	[sflag:s0] =	ssyncadd.remote.s32 $0x1  }
0xbd: {  	_ =	sfence.sel $0xFFFF  }
0xbe: {  	[dreg:$0x0] =	wrdreg $0xFFFFFFFF;
	(pc) =	sbr.abs _section_cstart, $3  }
0xbf: {  	[dreg:$0x1] =	wrdreg $0xFFFFFFFF  }
0xc0: {  	_ =	task.clear_ibuf [dreg:s6], $0x2FFFF;
	_ =	strace $0x9FFFFFFF  }
0xc1: {  	(tm) =	ssettm $0x7FFFFFFF  }
tec
execute0_lowered:
.L_overlay_start_1:
0x0: {  	(tag) =	ssettag $0x1  }
0x1: {  	s1 =	srdreg.scid;
	s0 =	stileid.u32  }
0x2: {  	s3 =	sand.u32 $0x1, s1;
	s31 =	sshll.u32 s0, $0x1  }
0x3: {  	s4 =	rddreg [dreg:$0x0];
	s5 =	sor.u32 s3, s31  }
0x4: {  	s2 =	simm.s32 $0x0;
	s1 =	rddreg [dreg:$0x1];
	s6 =	smul.u32 $0x14, s5  }
0x5: {  	[smem:$0x7FF] =	sst s2;
	s8 =	ssub.s32 $0x2, s3  }
0x6: {  	_ =	strace $0x80000047;
	s9 =	sshrl.u32 s8, $0x1;
	s7 =	sadd.s32 s6, s4  }
0x7: {  	s3 =	simm.s32 $0x1;
	s9 =	ssub.s32 s8, s9;
	s6 =	sadd.s32 $0xE00, s7  }
0x8: {  	[tilespmem:s2], [sflag:$0x1] =	stream.linear.gather [hbm4b:s6+s2], $0xA0, $0x38;
	[tilespmem:$0x280] =	vst v63  }
0x9: {  	s9 =	smax.u32 s9, $0x1;
	_ =	swait.ge [sflag:s3], $0xA0  }
0xa: {  	s8 =	simm.s32 $0x100;
	p0 =	sne.s32 s9, $0x1;
	[sflag:s3] =	ssyncset.done $0x0  }
.Ltmp0:
0xb: {  	s7 =	sadd.s32 $0xA00, s7;
	[sflag:s3] =	ssyncadd.s32 $0xFFFFFF60;
	(pc) =	sbr.rel @!p0 .LBB2_2-.Ltmp0, $4  }
0xc: {  	[tilespmem:s8], [sflag:$0x1] =	stream.linear.gather [hbm4b:s7+s2], $0xA0, $0x38;
	[tilespmem:$0x280] =	vst v63  }
0xd: {  	s5 =	sshll.u32 s5, $0x1;
	_ =	swait.ge [sflag:s3], $0xA0  }
0xe: {  	s4 =	sadd.s32 s5, s4;
	s5 =	simm.s32 $0x200;
	[sflag:s3] =	ssyncset.done $0x0  }
0xf: {  	v0 =	vimm.f32 $0.0e+00;
	s4 =	sadd.s32 $0x1200, s4;
	s9 =	sadd.s32 $0xFFFFFFFF, s9;
	[sflag:s3] =	ssyncadd.s32 $0xFFFFFF60  }
.LBB2_1:
0x10: {  	p0 =	sne.s32 s9, $0x1;
	s9 =	sadd.s32 $0xFFFFFFFF, s9;
	v1 =	vld [tilespmem:$0x20]  }
0x11: {  	v2 =	vld [tilespmem:$0x110]  }
0x12: {  	v3 =	vld [tilespmem:$0x0]  }
0x13: {  	v4 =	vld [tilespmem:$0x10]  }
0x14: {  	v5 =	vld [tilespmem:$0x100]  }
0x15: {  	v6 =	vld [tilespmem:$0x120]  }
0x16: {  	v7 =	vld [tilespmem:$0x130]  }
0x17: {  	v8 =	vld [tilespmem:$0x30]  }
0x18: {  	v2 =	vsub.f32 v4, v2;
	v4 =	vld [tilespmem:$0x140]  }
0x19: {  	v3 =	vsub.f32 v3, v5;
	v5 =	vld [tilespmem:$0x40]  }
0x1a: {  	v2 =	vand.u32 $0x7FFFFFFF, v2;
	v1 =	vsub.f32 v1, v6;
	v6 =	vld [tilespmem:$0x150]  }
0x1b: {  	v3 =	vand.u32 $0x7FFFFFFF, v3;
	v9 =	vld [tilespmem:$0x50]  }
0x1c: {  	v2 =	vadd.f32 v2, v3;
	v1 =	vand.u32 $0x7FFFFFFF, v1;
	v7 =	vsub.f32 v8, v7;
	v8 =	vld [tilespmem:$0x160]  }
0x1d: {  	v10 =	vld [tilespmem:$0x60]  }
0x1e: {  	v1 =	vadd.f32 v1, v2;
	v7 =	vand.u32 $0x7FFFFFFF, v7;
	v4 =	vsub.f32 v5, v4;
	v5 =	vld [tilespmem:$0x170]  }
0x1f: {  	v11 =	vld [tilespmem:$0x70]  }
0x20: {  	v7 =	vadd.f32 v7, v1;
	v4 =	vand.u32 $0x7FFFFFFF, v4;
	v6 =	vsub.f32 v9, v6;
	v9 =	vld [tilespmem:$0x180]  }
0x21: {  	v12 =	vld [tilespmem:$0x80]  }
0x22: {  	[tilespmem:$0x200] =	vst v0;
	v4 =	vadd.f32 v4, v7;
	v6 =	vand.u32 $0x7FFFFFFF, v6;
	v8 =	vsub.f32 v10, v8;
	v10 =	vld [tilespmem:$0x190]  }
0x23: {  	[tilespmem:$0x200] =	vst v3;
	v3 =	vld [tilespmem:$0x90]  }
0x24: {  	[tilespmem:$0x200] =	vst v2;
	v2 =	vadd.f32 v6, v4;
	v6 =	vand.u32 $0x7FFFFFFF, v8;
	v5 =	vsub.f32 v11, v5  }
0x25: {  	[tilespmem:$0x200] =	vst v1  }
0x26: {  	[tilespmem:$0x200] =	vst v7;
	v1 =	vadd.f32 v6, v2;
	v5 =	vand.u32 $0x7FFFFFFF, v5;
	v6 =	vsub.f32 v12, v9  }
0x27: {  	[tilespmem:$0x200] =	vst v4  }
0x28: {  	[tilespmem:$0x200] =	vst v2;
	v2 =	vadd.f32 v5, v1;
	v4 =	vand.u32 $0x7FFFFFFF, v6;
	v3 =	vsub.f32 v3, v10  }
0x29: {  	[tilespmem:$0x200] =	vst v1  }
0x2a: {  	[tilespmem:$0x200] =	vst v2;
	v1 =	vadd.f32 v4, v2;
	v2 =	vand.u32 $0x7FFFFFFF, v3;
	_ =	sdelay $0x1  }
0x2b: {  	[tilespmem:$0x200] =	vst v1;
	v1 =	vadd.f32 v2, v1;
	_ =	sdelay $0x1  }
0x2c: {  	[tilespmem:$0x200] =	vst v1  }
0x2d: {  	[hbm4b:s4+s2] =	stream.linear.scatter [tilespmem:s5], [sflag:$0x1], $0x10, $0x38;
	[tilespmem:$0x280] =	vst v63  }
0x2e: {  	_ =	swait.ge [sflag:s3], $0x10  }
0x2f: {  	[sflag:s3] =	ssyncset.done $0x0  }
0x30: {  	[sflag:s3] =	ssyncadd.s32 $0xFFFFFFF0  }
0x31: {  	[tilespmem:s2], [sflag:$0x1] =	stream.linear.gather [hbm4b:s6+s2], $0xA0, $0x38;
	[tilespmem:$0x280] =	vst v63  }
0x32: {  	_ =	swait.ge [sflag:s3], $0xA0  }
0x33: {  	[sflag:s3] =	ssyncset.done $0x0  }
.Ltmp1:
0x34: {  	[sflag:s3] =	ssyncadd.s32 $0xFFFFFF60;
	(pc) =	sbr.rel @p0 .LBB2_1-.Ltmp1, $4  }
0x35: {  	[tilespmem:s8], [sflag:$0x1] =	stream.linear.gather [hbm4b:s7+s2], $0xA0, $0x38;
	[tilespmem:$0x280] =	vst v63  }
0x36: {  	_ =	swait.ge [sflag:s3], $0xA0  }
0x37: {  	[sflag:s3] =	ssyncset.done $0x0  }
0x38: {  	[sflag:s3] =	ssyncadd.s32 $0xFFFFFF60  }
.LBB2_2:
0x39: {  	v1 =	vld [tilespmem:$0x110]  }
0x3a: {  	v2 =	vld [tilespmem:$0x0]  }
0x3b: {  	v3 =	vld [tilespmem:$0x10]  }
0x3c: {  	v4 =	vld [tilespmem:$0x100]  }
0x3d: {  	v5 =	vld [tilespmem:$0x20]  }
0x3e: {  	v6 =	vld [tilespmem:$0x120]  }
0x3f: {  	v7 =	vld [tilespmem:$0x130]  }
0x40: {  	v8 =	vld [tilespmem:$0x30]  }
0x41: {  	v51 =	vld [tilespmem:$0x140];
	v1 =	vsub.f32 v3, v1;
	v2 =	vsub.f32 v2, v4  }
0x42: {  	v52 =	vld [tilespmem:$0x40]  }
0x43: {  	v53 =	vld [tilespmem:$0x150];
	v5 =	vsub.f32 v5, v6;
	v1 =	vand.u32 $0x7FFFFFFF, v1;
	v2 =	vand.u32 $0x7FFFFFFF, v2  }
0x44: {  	v9 =	vld [tilespmem:$0x50];
	v1 =	vadd.f32 v1, v2  }
0x45: {  	v54 =	vld [tilespmem:$0x160];
	v7 =	vsub.f32 v8, v7;
	v5 =	vand.u32 $0x7FFFFFFF, v5  }
0x46: {  	v10 =	vld [tilespmem:$0x60];
	v5 =	vadd.f32 v5, v1  }
0x47: {  	v55 =	vld [tilespmem:$0x170];
	v3 =	vsub.f32 v52, v51;
	v7 =	vand.u32 $0x7FFFFFFF, v7  }
0x48: {  	v11 =	vld [tilespmem:$0x70];
	v7 =	vadd.f32 v7, v5  }
0x49: {  	v56 =	vld [tilespmem:$0x180];
	v6 =	vsub.f32 v9, v53;
	v3 =	vand.u32 $0x7FFFFFFF, v3  }
0x4a: {  	v12 =	vld [tilespmem:$0x80];
	v3 =	vadd.f32 v3, v7  }
0x4b: {  	v57 =	vld [tilespmem:$0x190];
	v8 =	vsub.f32 v10, v54;
	v6 =	vand.u32 $0x7FFFFFFF, v6  }
0x4c: {  	[tilespmem:$0x200] =	vst v0;
	v58 =	vld [tilespmem:$0x90];
	v6 =	vadd.f32 v6, v3  }
0x4d: {  	v4 =	vsub.f32 v11, v55;
	v59 =	vand.u32 $0x7FFFFFFF, v8;
	[tilespmem:$0x200] =	vst v2  }
0x4e: {  	[tilespmem:$0x200] =	vst v1;
	v60 =	vadd.f32 v59, v6  }
0x4f: {  	v62 =	vsub.f32 v12, v56;
	v61 =	vand.u32 $0x7FFFFFFF, v4;
	[tilespmem:$0x200] =	vst v5  }
0x50: {  	[tilespmem:$0x200] =	vst v7;
	v2 =	vadd.f32 v61, v60  }
0x51: {  	v0 =	vsub.f32 v58, v57;
	v63 =	vand.u32 $0x7FFFFFFF, v62;
	[tilespmem:$0x200] =	vst v3  }
0x52: {  	[tilespmem:$0x200] =	vst v6;
	v3 =	vadd.f32 v63, v2  }
0x53: {  	v0 =	vand.u32 $0x7FFFFFFF, v0;
	[tilespmem:$0x200] =	vst v60  }
0x54: {  	[tilespmem:$0x200] =	vst v2;
	v0 =	vadd.f32 v0, v3  }
0x55: {  	[tilespmem:$0x200] =	vst v3  }
0x56: {  	[tilespmem:$0x200] =	vst v0  }
0x57: {  	[hbm4b:s4+s2] =	stream.linear.scatter [tilespmem:s5], [sflag:$0x1], $0x10, $0x38;
	[tilespmem:$0x280] =	vst v63  }
0x58: {  	_ =	swait.ge [sflag:s3], $0x10  }
0x59: {  	[sflag:s3] =	ssyncset.done $0x0  }
0x5a: {  	[sflag:s3] =	ssyncadd.s32 $0xFFFFFFF0  }
0x5b: {  	_ =	sfence.sel $0x180000  }
0x5c: {  	[bflag:$0x0] =	sbarrier.arrive $0xFFFF  }
0x5d: {  	p0 =	sne.s32 s0, $0x0;
	_ =	strace $0x90000047  }
0x5e: {  	s0 =	sadd.s32 @!p0 $0x100000, s1;
	[bflag:$0x2] =	sbarrier.arrive $0xFFFF  }
0x5f: {  	[sflag:s0] =	ssyncadd.tile.s32 @!p0 $0x1;
	_ =	shalt  }
.Lfunc_end2:
_tile_overlayer_lowered:
.L_overlay_start_2:
0x60: {  	(tag) =	ssettag $0x2  }
0x61: {  	s0 =	rddreg [dreg:$0x0];
	s2 =	stileid.u32  }
0x62: {  	s1 =	rddreg [dreg:$0x1];
	p0 =	sne.s32 s2, $0x0  }
0x63: {  	s3 =	rddreg [dreg:$0x2];
	[bflag:$0x3] =	sbarrier.arrive $0xFFFF;
	s2 =	simm.s32 @!p0 $0x1C01  }
0x64: {  	[timem:s3], [sflag:s2] =	dma.local @!p0 [hbm:s0], s1  }
0x65: {  	s0 =	simm.s32 @!p0 $0x1  }
0x66: {  	_ =	swait.ge @!p0 [sflag:s0], s1  }
0x67: {  	s1 =	ssub.s32 @!p0 $0x0, s1;
	[sflag:s0] =	ssyncset.done @!p0 $0x0  }
0x68: {  	[sflag:s0] =	ssyncadd.s32 @!p0 s1  }
0x69: {  	[bflag:$0x3] =	sbarrier.arrive $0xFFFF  }
0x6a: {  	_ =	shalt  }

</sc_bundles>
